<compile_context>
chip_gen: v7x
topology: tpu7x:2x2x1
jax: 0.10.2.dev20260603
libtpu: 0.0.44.dev20260713+nightly
codegen_flags: <defaults>
</compile_context>

<pallas_src>
import functools

import jax
import jax.numpy as jnp
from jax import lax
from jax.experimental import pallas as pl
from jax.experimental.pallas import tpu as pltpu
from jax.experimental.pallas import tpu_sc as plsc

N_NODES = 10000
N_EDGES = 320000
D = 128
DE = 144

NC = 2
NS = 16
NW = NC * NS

E_PER_TILE = N_EDGES // NW
CHUNK = 125
SLAB = 20
NSLAB = E_PER_TILE // (SLAB * CHUNK)
N_PAD = 10240
ROWS_PER_TILE = N_PAD // NS

_mesh = plsc.VectorSubcoreMesh(core_axis_name="c", subcore_axis_name="s")


@functools.partial(
    pl.kernel,
    out_type=jax.ShapeDtypeStruct((NC, N_PAD, DE), jnp.float32),
    mesh=_mesh,
    compiler_params=pltpu.CompilerParams(use_tc_tiling_on_sc=False),
    scratch_types=[
        pltpu.VMEM_SHARED((N_PAD, DE), jnp.float32),
        pltpu.VMEM((SLAB, CHUNK), jnp.int32),
        pltpu.VMEM((SLAB, CHUNK), jnp.int32),
        pltpu.VMEM((CHUNK, DE), jnp.float32),
        pltpu.SemaphoreType.DMA,
    ],
)
def _sc_segment_sum(data_h, src_h, dst_h, zero_h,
                    acc_out_h,
                    acc_s, sidx_v, didx_v, rows_v, sem):
    c = lax.axis_index("c")
    s = lax.axis_index("s")
    wid = c * NS + s

    r0 = s * ROWS_PER_TILE
    pltpu.sync_copy(zero_h, acc_s.at[pl.ds(r0, ROWS_PER_TILE)])
    plsc.subcore_barrier()

    def slab_body(t, carry):
        pltpu.sync_copy(src_h.at[wid, t], sidx_v)
        pltpu.sync_copy(dst_h.at[wid, t], didx_v)

        def chunk_body(r, carry2):
            pltpu.async_copy(data_h.at[sidx_v.at[r]], rows_v, sem).wait()
            pltpu.sync_copy(rows_v, acc_s.at[didx_v.at[r]], add=True)
            return carry2

        lax.fori_loop(0, SLAB, chunk_body, 0)
        return carry

    lax.fori_loop(0, NSLAB, slab_body, 0)
    plsc.subcore_barrier()

    pltpu.sync_copy(acc_s.at[pl.ds(r0, ROWS_PER_TILE)],
                    acc_out_h.at[c, pl.ds(r0, ROWS_PER_TILE)])


BLK = 1000


def _tc_combine_body(d_ref, acc_ref, deg_ref, wt_ref, b_ref, o_ref):
    deg = deg_ref[...]
    z = (d_ref[...] + acc_ref[0] + acc_ref[1]) / (deg + 1.0)
    y = jnp.dot(z, wt_ref[...], preferred_element_type=jnp.float32) + b_ref[...]
    o_ref[...] = jnp.where(deg > 0.0, jnp.maximum(y, 0.0), 0.0)


_tc_combine = pl.pallas_call(
    _tc_combine_body,
    grid=(N_NODES // BLK,),
    in_specs=[
        pl.BlockSpec((BLK, D), lambda i: (i, 0)),
        pl.BlockSpec((NC, BLK, D), lambda i: (0, i, 0)),
        pl.BlockSpec((BLK, 1), lambda i: (i, 0)),
        pl.BlockSpec((D, D), lambda i: (0, 0)),
        pl.BlockSpec((1, D), lambda i: (0, 0)),
    ],
    out_specs=pl.BlockSpec((BLK, D), lambda i: (i, 0)),
    out_shape=jax.ShapeDtypeStruct((N_NODES, D), jnp.float32),
)


@jax.jit
def kernel(data, structure, W, b):
    src = structure[0].reshape(NW, NSLAB, SLAB, CHUNK)
    dst = structure[1].reshape(NW, NSLAB, SLAB, CHUNK)
    data_ext = jnp.concatenate(
        [data, jnp.ones((N_NODES, DE - D), jnp.float32)], axis=1)
    zero = jnp.zeros((ROWS_PER_TILE, DE), jnp.float32)
    acc = _sc_segment_sum(data_ext, src, dst, zero)
    accm = acc[:, :, :D]
    deg_col = (acc[0, :, D] + acc[1, :, D]).reshape(N_PAD, 1)
    return _tc_combine(data, accm, deg_col, W.T, b.reshape(1, D))

# --- scband reference (transcript-rebuilt; emitter-appended) ---
"""Pipeline reference for scband-gcn-41360535061060 (READ-ONLY COPY).

The authoritative reference and input builder live on the scoring server;
editing this copy changes nothing except your own understanding.
"""

import jax, jax.numpy as jnp
import numpy as np

N_NODES = 10000
N_EDGES = 320000
D_IN = 128
D_OUT = 128
DEPTH = 1


def setup_inputs(seed: int = 0) -> dict:
    key = jax.random.key(seed)
    k1, k2, k3, k4 = jax.random.split(key, 4)
    data = jax.random.normal(k1, (N_NODES, D_IN), dtype=jnp.float32)
    # sorted_randint: sort along last axis so dst indices (row 1) are sorted,
    # matching the repeat_interleave alignment assumption in the torch code.
    structure = jnp.sort(jax.random.randint(k2, (2, N_EDGES), 0, N_NODES, dtype=jnp.int32), axis=-1)
    # linear layer parameters (nn.Linear(in_size, out_size))
    W = jax.random.normal(k3, (D_OUT, D_IN), dtype=jnp.float32) * (1.0 / np.sqrt(D_IN))
    b = jax.random.normal(k4, (D_OUT,), dtype=jnp.float32) * 0.01
    return {"data": data, "structure": structure, "W": W, "b": b}


def _adjacency_action(out, src, dst, n_nodes):
    # message_size[e] = number of messages arriving at dst[e]
    # (equivalent to repeat_interleave(counts, counts) for sorted dst)
    deg = jnp.bincount(dst, length=n_nodes).astype(jnp.float32)
    message_size = deg[dst]
    own = out[dst]
    msg = out[src]
    own_norm = message_size * (message_size + 1.0)
    contrib = own / own_norm[:, None] + msg / (message_size + 1.0)[:, None]
    return jax.ops.segment_sum(contrib, dst, num_segments=n_nodes)


def reference(data, structure, W, b):
    src = structure[0]
    dst = structure[1]
    n_nodes = data.shape[0]
    out = data @ W.T + b
    for _ in range(DEPTH):
        out = _adjacency_action(out, src, dst, n_nodes)
    return jax.nn.relu(out)

if __name__ == "__main__":
    import jax
    _d = setup_inputs()
    print(jax.jit(kernel)(*tuple(_d.values())))

</pallas_src>

<mosaic_0001>
#map = affine_map<(d0, d1) -> (0, 0)>
#map1 = affine_map<(d0, d1) -> (0, 0, 0, 0)>
#map2 = affine_map<(d0, d1) -> (0, 0, 0)>
module attributes {stable_mosaic.version = 14 : i64} {
  func.func @_sc_segment_sum(%arg0: i32, %arg1: i32, %arg2: memref<10000x144xf32, #tpu.memory_space<hbm>>, %arg3: memref<32x4x20x125xi32, #tpu.memory_space<hbm>>, %arg4: memref<32x4x20x125xi32, #tpu.memory_space<hbm>>, %arg5: memref<640x144xf32, #tpu.memory_space<hbm>>, %arg6: memref<2x10240x144xf32, #tpu.memory_space<hbm>>, %arg7: memref<10240x144xf32, #tpu.memory_space<vmem_shared>>, %arg8: memref<20x125xi32, #tpu.memory_space<vmem>>, %arg9: memref<20x125xi32, #tpu.memory_space<vmem>>, %arg10: memref<125x144xf32, #tpu.memory_space<vmem>>, %arg11: memref<!tpu.dma_semaphore, #tpu.memory_space<semaphore_mem>>) attributes {dimension_semantics = [#tpu.dimension_semantics<core_parallel>, #tpu.dimension_semantics<subcore_parallel>], iteration_bounds = array<i64: 2, 16>, scalar_prefetch = 0 : i64, scratch_operands = 5 : i64, tpu.core_type = #tpu.core_type<sc_vector_subcore>, window_params = [{transform_indices = #map}, {transform_indices = #map1}, {transform_indices = #map1}, {transform_indices = #map}, {transform_indices = #map2}]} {
    %mul3A = arith.constant 16 : i32
    %mul3A_0 = arith.muli %arg0, %mul3A : i32
    %add3A = arith.addi %mul3A_0, %arg1 : i32
    %mul3A_1 = arith.constant 640 : i32
    %mul3A_2 = arith.muli %arg1, %mul3A_1 : i32
    "tpu.region"() ({
      %run_scoped3A = tpu.sem_alloc : memref<!tpu.dma_semaphore, #tpu.memory_space<semaphore_mem>>
      %dma_start3A = arith.constant 0 : i32
      %dma_start3A_9 = tpu.memref_slice %arg7[%mul3A_2, %dma_start3A] : memref<10240x144xf32, #tpu.memory_space<vmem_shared>> -> memref<640x144xf32, #tpu.memory_space<vmem_shared>>
      tpu.enqueue_dma source(%arg5 : memref<640x144xf32, #tpu.memory_space<hbm>>) target(%dma_start3A_9 : memref<640x144xf32, #tpu.memory_space<vmem_shared>>) target_semaphore(%run_scoped3A : memref<!tpu.dma_semaphore, #tpu.memory_space<semaphore_mem>>)
      %dma_wait3A = arith.constant 0 : i32
      %dma_wait3A_10 = tpu.memref_slice %arg7[%mul3A_2, %dma_wait3A] : memref<10240x144xf32, #tpu.memory_space<vmem_shared>> -> memref<640x144xf32, #tpu.memory_space<vmem_shared>>
      tpu.wait_dma2 semaphore(%run_scoped3A : memref<!tpu.dma_semaphore, #tpu.memory_space<semaphore_mem>>) src(%arg5 : memref<640x144xf32, #tpu.memory_space<hbm>>) dst(%dma_wait3A_10 : memref<640x144xf32, #tpu.memory_space<vmem_shared>>)
      tpu.yield
    }) : () -> ()
    %barrier3A = arith.constant 0 : index
    tpu.barrier barrier_id(%barrier3A)
    %scan3A = arith.constant 0 : i32
    %scan3A_3 = arith.constant 0 : i32
    %scan3A_4 = arith.constant 4 : i32
    %scan3A_5 = arith.addi %scan3A_3, %scan3A_4 : i32
    %scan3A_6 = arith.constant 1 : i32
    scf.for %scan3A_9 = %scan3A_3 to %scan3A_5 step %scan3A_6  : i32 {
      "tpu.region"() ({
        %run_scoped3A = tpu.sem_alloc : memref<!tpu.dma_semaphore, #tpu.memory_space<semaphore_mem>>
        %dma_start3A = arith.constant 0 : i32
        %dma_start3A_16 = arith.constant 0 : i32
        %dma_start3A_17 = tpu.memref_slice %arg3[%add3A, %scan3A_9, %dma_start3A, %dma_start3A_16] : memref<32x4x20x125xi32, #tpu.memory_space<hbm>> -> memref<1x1x20x125xi32, #tpu.memory_space<hbm>>
        %dma_start3A_18 = tpu.memref_squeeze %dma_start3A_17 : memref<1x1x20x125xi32, #tpu.memory_space<hbm>> -> memref<20x125xi32, #tpu.memory_space<hbm>>
        %dma_start3A_19 = arith.constant 0 : i32
        %dma_start3A_20 = arith.constant 0 : i32
        %dma_start3A_21 = tpu.memref_slice %arg3[%add3A, %scan3A_9, %dma_start3A_19, %dma_start3A_20] : memref<32x4x20x125xi32, #tpu.memory_space<hbm>> -> memref<1x1x20x125xi32, #tpu.memory_space<hbm>>
        %dma_start3A_22 = tpu.memref_squeeze %dma_start3A_21 : memref<1x1x20x125xi32, #tpu.memory_space<hbm>> -> memref<20x125xi32, #tpu.memory_space<hbm>>
        tpu.enqueue_dma source(%dma_start3A_22 : memref<20x125xi32, #tpu.memory_space<hbm>>) target(%arg8 : memref<20x125xi32, #tpu.memory_space<vmem>>) target_semaphore(%run_scoped3A : memref<!tpu.dma_semaphore, #tpu.memory_space<semaphore_mem>>)
        %dma_wait3A = arith.constant 0 : i32
        %dma_wait3A_23 = arith.constant 0 : i32
        %dma_wait3A_24 = tpu.memref_slice %arg3[%add3A, %scan3A_9, %dma_wait3A, %dma_wait3A_23] : memref<32x4x20x125xi32, #tpu.memory_space<hbm>> -> memref<1x1x20x125xi32, #tpu.memory_space<hbm>>
        %dma_wait3A_25 = tpu.memref_squeeze %dma_wait3A_24 : memref<1x1x20x125xi32, #tpu.memory_space<hbm>> -> memref<20x125xi32, #tpu.memory_space<hbm>>
        %dma_wait3A_26 = arith.constant 0 : i32
        %dma_wait3A_27 = arith.constant 0 : i32
        %dma_wait3A_28 = tpu.memref_slice %arg3[%add3A, %scan3A_9, %dma_wait3A_26, %dma_wait3A_27] : memref<32x4x20x125xi32, #tpu.memory_space<hbm>> -> memref<1x1x20x125xi32, #tpu.memory_space<hbm>>
        %dma_wait3A_29 = tpu.memref_squeeze %dma_wait3A_28 : memref<1x1x20x125xi32, #tpu.memory_space<hbm>> -> memref<20x125xi32, #tpu.memory_space<hbm>>
        tpu.wait_dma2 semaphore(%run_scoped3A : memref<!tpu.dma_semaphore, #tpu.memory_space<semaphore_mem>>) src(%dma_wait3A_29 : memref<20x125xi32, #tpu.memory_space<hbm>>) dst(%arg8 : memref<20x125xi32, #tpu.memory_space<vmem>>)
        tpu.yield
      }) : () -> ()
      "tpu.region"() ({
        %run_scoped3A = tpu.sem_alloc : memref<!tpu.dma_semaphore, #tpu.memory_space<semaphore_mem>>
        %dma_start3A = arith.constant 0 : i32
        %dma_start3A_16 = arith.constant 0 : i32
        %dma_start3A_17 = tpu.memref_slice %arg4[%add3A, %scan3A_9, %dma_start3A, %dma_start3A_16] : memref<32x4x20x125xi32, #tpu.memory_space<hbm>> -> memref<1x1x20x125xi32, #tpu.memory_space<hbm>>
        %dma_start3A_18 = tpu.memref_squeeze %dma_start3A_17 : memref<1x1x20x125xi32, #tpu.memory_space<hbm>> -> memref<20x125xi32, #tpu.memory_space<hbm>>
        %dma_start3A_19 = arith.constant 0 : i32
        %dma_start3A_20 = arith.constant 0 : i32
        %dma_start3A_21 = tpu.memref_slice %arg4[%add3A, %scan3A_9, %dma_start3A_19, %dma_start3A_20] : memref<32x4x20x125xi32, #tpu.memory_space<hbm>> -> memref<1x1x20x125xi32, #tpu.memory_space<hbm>>
        %dma_start3A_22 = tpu.memref_squeeze %dma_start3A_21 : memref<1x1x20x125xi32, #tpu.memory_space<hbm>> -> memref<20x125xi32, #tpu.memory_space<hbm>>
        tpu.enqueue_dma source(%dma_start3A_22 : memref<20x125xi32, #tpu.memory_space<hbm>>) target(%arg9 : memref<20x125xi32, #tpu.memory_space<vmem>>) target_semaphore(%run_scoped3A : memref<!tpu.dma_semaphore, #tpu.memory_space<semaphore_mem>>)
        %dma_wait3A = arith.constant 0 : i32
        %dma_wait3A_23 = arith.constant 0 : i32
        %dma_wait3A_24 = tpu.memref_slice %arg4[%add3A, %scan3A_9, %dma_wait3A, %dma_wait3A_23] : memref<32x4x20x125xi32, #tpu.memory_space<hbm>> -> memref<1x1x20x125xi32, #tpu.memory_space<hbm>>
        %dma_wait3A_25 = tpu.memref_squeeze %dma_wait3A_24 : memref<1x1x20x125xi32, #tpu.memory_space<hbm>> -> memref<20x125xi32, #tpu.memory_space<hbm>>
        %dma_wait3A_26 = arith.constant 0 : i32
        %dma_wait3A_27 = arith.constant 0 : i32
        %dma_wait3A_28 = tpu.memref_slice %arg4[%add3A, %scan3A_9, %dma_wait3A_26, %dma_wait3A_27] : memref<32x4x20x125xi32, #tpu.memory_space<hbm>> -> memref<1x1x20x125xi32, #tpu.memory_space<hbm>>
        %dma_wait3A_29 = tpu.memref_squeeze %dma_wait3A_28 : memref<1x1x20x125xi32, #tpu.memory_space<hbm>> -> memref<20x125xi32, #tpu.memory_space<hbm>>
        tpu.wait_dma2 semaphore(%run_scoped3A : memref<!tpu.dma_semaphore, #tpu.memory_space<semaphore_mem>>) src(%dma_wait3A_29 : memref<20x125xi32, #tpu.memory_space<hbm>>) dst(%arg9 : memref<20x125xi32, #tpu.memory_space<vmem>>)
        tpu.yield
      }) : () -> ()
      %scan3A_10 = arith.constant 0 : i32
      %scan3A_11 = arith.constant 0 : i32
      %scan3A_12 = arith.constant 20 : i32
      %scan3A_13 = arith.addi %scan3A_11, %scan3A_12 : i32
      %scan3A_14 = arith.constant 1 : i32
      scf.for %scan3A_16 = %scan3A_11 to %scan3A_13 step %scan3A_14  : i32 {
        %dma_start3A = arith.constant 0 : i32
        %dma_start3A_17 = tpu.memref_slice %arg8[%scan3A_16, %dma_start3A] : memref<20x125xi32, #tpu.memory_space<vmem>> -> memref<1x125xi32, #tpu.memory_space<vmem>>
        %dma_start3A_18 = tpu.memref_squeeze %dma_start3A_17 : memref<1x125xi32, #tpu.memory_space<vmem>> -> memref<125xi32, #tpu.memory_space<vmem>>
        %dma_start3A_19 = arith.constant 0 : i32
        %dma_start3A_20 = arith.constant 0 : i32
        %dma_start3A_21 = tpu.memref_slice %arg2[%dma_start3A_19, %dma_start3A_20] : memref<10000x144xf32, #tpu.memory_space<hbm>> -> memref<10000x144xf32, #tpu.memory_space<hbm>>
        tpu.enqueue_indirect_dma source(%dma_start3A_21 : memref<10000x144xf32, #tpu.memory_space<hbm>>) target(%arg10 : memref<125x144xf32, #tpu.memory_space<vmem>>) offsets(%dma_start3A_18 : memref<125xi32, #tpu.memory_space<vmem>>) semaphore(%arg11 : memref<!tpu.dma_semaphore, #tpu.memory_space<semaphore_mem>>)
        %dma_wait3A = arith.constant 0 : i32
        %dma_wait3A_22 = tpu.memref_slice %arg8[%scan3A_16, %dma_wait3A] : memref<20x125xi32, #tpu.memory_space<vmem>> -> memref<1x125xi32, #tpu.memory_space<vmem>>
        %dma_wait3A_23 = tpu.memref_squeeze %dma_wait3A_22 : memref<1x125xi32, #tpu.memory_space<vmem>> -> memref<125xi32, #tpu.memory_space<vmem>>
        %dma_wait3A_24 = arith.constant 0 : i32
        %dma_wait3A_25 = arith.constant 0 : i32
        %dma_wait3A_26 = tpu.memref_slice %arg2[%dma_wait3A_24, %dma_wait3A_25] : memref<10000x144xf32, #tpu.memory_space<hbm>> -> memref<10000x144xf32, #tpu.memory_space<hbm>>
        tpu.wait_indirect_dma semaphore(%arg11 : memref<!tpu.dma_semaphore, #tpu.memory_space<semaphore_mem>>) src(%dma_wait3A_26 : memref<10000x144xf32, #tpu.memory_space<hbm>>) dst(%arg10 : memref<125x144xf32, #tpu.memory_space<vmem>>)
        "tpu.region"() ({
          %run_scoped3A = tpu.sem_alloc : memref<!tpu.dma_semaphore, #tpu.memory_space<semaphore_mem>>
          %dma_start3A_27 = arith.constant 0 : i32
          %dma_start3A_28 = tpu.memref_slice %arg9[%scan3A_16, %dma_start3A_27] : memref<20x125xi32, #tpu.memory_space<vmem>> -> memref<1x125xi32, #tpu.memory_space<vmem>>
          %dma_start3A_29 = tpu.memref_squeeze %dma_start3A_28 : memref<1x125xi32, #tpu.memory_space<vmem>> -> memref<125xi32, #tpu.memory_space<vmem>>
          %dma_start3A_30 = arith.constant 0 : i32
          %dma_start3A_31 = arith.constant 0 : i32
          %dma_start3A_32 = tpu.memref_slice %arg7[%dma_start3A_30, %dma_start3A_31] : memref<10240x144xf32, #tpu.memory_space<vmem_shared>> -> memref<10240x144xf32, #tpu.memory_space<vmem_shared>>
          tpu.enqueue_indirect_dma source(%arg10 : memref<125x144xf32, #tpu.memory_space<vmem>>) target(%dma_start3A_32 : memref<10240x144xf32, #tpu.memory_space<vmem_shared>>) offsets(%dma_start3A_29 : memref<125xi32, #tpu.memory_space<vmem>>) semaphore(%run_scoped3A : memref<!tpu.dma_semaphore, #tpu.memory_space<semaphore_mem>>) {add = true}
          %dma_wait3A_33 = arith.constant 0 : i32
          %dma_wait3A_34 = tpu.memref_slice %arg9[%scan3A_16, %dma_wait3A_33] : memref<20x125xi32, #tpu.memory_space<vmem>> -> memref<1x125xi32, #tpu.memory_space<vmem>>
          %dma_wait3A_35 = tpu.memref_squeeze %dma_wait3A_34 : memref<1x125xi32, #tpu.memory_space<vmem>> -> memref<125xi32, #tpu.memory_space<vmem>>
          %dma_wait3A_36 = arith.constant 0 : i32
          %dma_wait3A_37 = arith.constant 0 : i32
          %dma_wait3A_38 = tpu.memref_slice %arg7[%dma_wait3A_36, %dma_wait3A_37] : memref<10240x144xf32, #tpu.memory_space<vmem_shared>> -> memref<10240x144xf32, #tpu.memory_space<vmem_shared>>
          tpu.wait_indirect_dma semaphore(%run_scoped3A : memref<!tpu.dma_semaphore, #tpu.memory_space<semaphore_mem>>) src(%arg10 : memref<125x144xf32, #tpu.memory_space<vmem>>) dst(%dma_wait3A_38 : memref<10240x144xf32, #tpu.memory_space<vmem_shared>>)
          tpu.yield
        }) : () -> ()
      }
      %scan3A_15 = arith.constant 20 : i32
    }
    %scan3A_7 = arith.constant 4 : i32
    %barrier3A_8 = arith.constant 0 : index
    tpu.barrier barrier_id(%barrier3A_8)
    "tpu.region"() ({
      %run_scoped3A = tpu.sem_alloc : memref<!tpu.dma_semaphore, #tpu.memory_space<semaphore_mem>>
      %dma_start3A = arith.constant 0 : i32
      %dma_start3A_9 = tpu.memref_slice %arg6[%arg0, %mul3A_2, %dma_start3A] : memref<2x10240x144xf32, #tpu.memory_space<hbm>> -> memref<1x640x144xf32, #tpu.memory_space<hbm>>
      %dma_start3A_10 = tpu.memref_squeeze %dma_start3A_9 : memref<1x640x144xf32, #tpu.memory_space<hbm>> -> memref<640x144xf32, #tpu.memory_space<hbm>>
      %dma_start3A_11 = arith.constant 0 : i32
      %dma_start3A_12 = tpu.memref_slice %arg7[%mul3A_2, %dma_start3A_11] : memref<10240x144xf32, #tpu.memory_space<vmem_shared>> -> memref<640x144xf32, #tpu.memory_space<vmem_shared>>
      tpu.enqueue_dma source(%dma_start3A_12 : memref<640x144xf32, #tpu.memory_space<vmem_shared>>) target(%dma_start3A_10 : memref<640x144xf32, #tpu.memory_space<hbm>>) target_semaphore(%run_scoped3A : memref<!tpu.dma_semaphore, #tpu.memory_space<semaphore_mem>>)
      %dma_wait3A = arith.constant 0 : i32
      %dma_wait3A_13 = tpu.memref_slice %arg6[%arg0, %mul3A_2, %dma_wait3A] : memref<2x10240x144xf32, #tpu.memory_space<hbm>> -> memref<1x640x144xf32, #tpu.memory_space<hbm>>
      %dma_wait3A_14 = tpu.memref_squeeze %dma_wait3A_13 : memref<1x640x144xf32, #tpu.memory_space<hbm>> -> memref<640x144xf32, #tpu.memory_space<hbm>>
      %dma_wait3A_15 = arith.constant 0 : i32
      %dma_wait3A_16 = tpu.memref_slice %arg7[%mul3A_2, %dma_wait3A_15] : memref<10240x144xf32, #tpu.memory_space<vmem_shared>> -> memref<640x144xf32, #tpu.memory_space<vmem_shared>>
      tpu.wait_dma2 semaphore(%run_scoped3A : memref<!tpu.dma_semaphore, #tpu.memory_space<semaphore_mem>>) src(%dma_wait3A_16 : memref<640x144xf32, #tpu.memory_space<vmem_shared>>) dst(%dma_wait3A_14 : memref<640x144xf32, #tpu.memory_space<hbm>>)
      tpu.yield
    }) : () -> ()
    return
  }
}

module attributes {stable_mosaic.version = 14 : i64} {
  func.func @_tc_combine_body(%arg0: i32, %arg1: memref<1000x128xf32, #tpu.memory_space<vmem>>, %arg2: memref<2x1000x128xf32, #tpu.memory_space<vmem>>, %arg3: memref<1000x1xf32, #tpu.memory_space<vmem>>, %arg4: memref<128x128xf32, #tpu.memory_space<vmem>>, %arg5: memref<1x128xf32, #tpu.memory_space<vmem>>, %arg6: memref<1000x128xf32, #tpu.memory_space<vmem>>) attributes {dimension_semantics = [#tpu.dimension_semantics<arbitrary>], iteration_bounds = array<i64: 10>, scalar_prefetch = 0 : i64, scratch_operands = 0 : i64, tpu.core_type = #tpu.core_type<tc>, window_params = [{transform_indices = @transform_0, window_bounds = array<i64: 1000, 128>}, {transform_indices = @transform_1, window_bounds = array<i64: 2, 1000, 128>}, {transform_indices = @transform_2, window_bounds = array<i64: 1000, 1>}, {pipeline_mode = #tpu.pipeline_mode<synchronous>, transform_indices = @transform_3, window_bounds = array<i64: 128, 128>}, {pipeline_mode = #tpu.pipeline_mode<synchronous>, transform_indices = @transform_4, window_bounds = array<i64: 1, 128>}, {transform_indices = @transform_5, window_bounds = array<i64: 1000, 128>}]} {
    %get3A = arith.constant 0 : index
    %get3A_0 = arith.constant 0 : index
    %get3A_1 = vector.load %arg3[%get3A, %get3A_0] : memref<1000x1xf32, #tpu.memory_space<vmem>>, vector<1000x1xf32>
    %get3A_2 = arith.constant 0 : index
    %get3A_3 = arith.constant 0 : index
    %get3A_4 = vector.load %arg1[%get3A_2, %get3A_3] : memref<1000x128xf32, #tpu.memory_space<vmem>>, vector<1000x128xf32>
    %get3A_5 = arith.constant 0 : index
    %get3A_6 = arith.constant 0 : index
    %get3A_7 = arith.constant 0 : index
    %get3A_8 = vector.load %arg2[%get3A_5, %get3A_6, %get3A_7] : memref<2x1000x128xf32, #tpu.memory_space<vmem>>, vector<1x1000x128xf32>
    %get3A_9 = vector.shape_cast %get3A_8 : vector<1x1000x128xf32> to vector<1000x128xf32>
    %add3A = arith.addf %get3A_4, %get3A_9 : vector<1000x128xf32>
    %get3A_10 = arith.constant 1 : index
    %get3A_11 = arith.constant 0 : index
    %get3A_12 = arith.constant 0 : index
    %get3A_13 = vector.load %arg2[%get3A_10, %get3A_11, %get3A_12] : memref<2x1000x128xf32, #tpu.memory_space<vmem>>, vector<1x1000x128xf32>
    %get3A_14 = vector.shape_cast %get3A_13 : vector<1x1000x128xf32> to vector<1000x128xf32>
    %add3A_15 = arith.addf %add3A, %get3A_14 : vector<1000x128xf32>
    %add3A_16 = arith.constant 1.000000e+00 : f32
    %add3A_17 = vector.broadcast %add3A_16 : f32 to vector<1000x1xf32>
    %add3A_18 = arith.addf %get3A_1, %add3A_17 : vector<1000x1xf32>
    %div3A = vector.broadcast %add3A_18 : vector<1000x1xf32> to vector<1000x128xf32>
    %div3A_19 = arith.divf %add3A_15, %div3A : vector<1000x128xf32>
    %get3A_20 = arith.constant 0 : index
    %get3A_21 = arith.constant 0 : index
    %get3A_22 = vector.load %arg4[%get3A_20, %get3A_21] : memref<128x128xf32, #tpu.memory_space<vmem>>, vector<128x128xf32>
    %dot_general3A = arith.constant dense<0.000000e+00> : vector<1000x128xf32>
    %dot_general3A_23 = tpu.matmul %div3A_19, %get3A_22, %dot_general3A {dimension_numbers = #tpu.dot_dimension_numbers<[1], [0], [0], [1], [0, 0, 1, 1], [], []>, transpose_lhs_hint = false} : vector<1000x128xf32>, vector<128x128xf32>, vector<1000x128xf32> -> vector<1000x128xf32>
    %get3A_24 = arith.constant 0 : index
    %get3A_25 = arith.constant 0 : index
    %get3A_26 = vector.load %arg5[%get3A_24, %get3A_25] : memref<1x128xf32, #tpu.memory_space<vmem>>, vector<1x128xf32>
    %add3A_27 = vector.broadcast %get3A_26 : vector<1x128xf32> to vector<1000x128xf32>
    %add3A_28 = arith.addf %dot_general3A_23, %add3A_27 : vector<1000x128xf32>
    %gt3A = arith.constant 0.000000e+00 : f32
    %gt3A_29 = vector.broadcast %gt3A : f32 to vector<1000x1xf32>
    %gt3A_30 = arith.cmpf ogt, %get3A_1, %gt3A_29 : vector<1000x1xf32>
    %max3A = arith.constant 0.000000e+00 : f32
    %max3A_31 = vector.broadcast %max3A : f32 to vector<1000x128xf32>
    %max3A_32 = arith.maximumf %add3A_28, %max3A_31 : vector<1000x128xf32>
    %jit3A = arith.constant 0.000000e+00 : f32
    %broadcast_in_dim3A = vector.shape_cast %gt3A_30 : vector<1000x1xi1> to vector<1000x1xi1>
    %broadcast_in_dim3A_33 = vector.broadcast %broadcast_in_dim3A : vector<1000x1xi1> to vector<1000x128xi1>
    %broadcast_in_dim3A_34 = vector.broadcast %jit3A : f32 to vector<1000x128xf32>
    %select_n3A = arith.select %broadcast_in_dim3A_33, %max3A_32, %broadcast_in_dim3A_34 : vector<1000x128xi1>, vector<1000x128xf32>
    %swap3A = arith.constant 0 : index
    %swap3A_35 = arith.constant 0 : index
    %swap3A_36 = vector.load %arg6[%swap3A, %swap3A_35] : memref<1000x128xf32, #tpu.memory_space<vmem>>, vector<1000x128xf32>
    tpu.vector_store %arg6[%swap3A, %swap3A_35], %select_n3A {strides = array<i32>} : memref<1000x128xf32, #tpu.memory_space<vmem>>, vector<1000x128xf32>,
    return
  }
  func.func @transform_0(%arg0: i32) -> (i32, i32) {
    %c0_i32 = arith.constant 0 : i32
    %c0_i32_0 = arith.constant 0 : i32
    return %arg0, %c0_i32 : i32, i32
  }
  func.func @transform_1(%arg0: i32) -> (i32, i32, i32) {
    %c0_i32 = arith.constant 0 : i32
    %c0_i32_0 = arith.constant 0 : i32
    %c0_i32_1 = arith.constant 0 : i32
    return %c0_i32, %arg0, %c0_i32_0 : i32, i32, i32
  }
  func.func @transform_2(%arg0: i32) -> (i32, i32) {
    %c0_i32 = arith.constant 0 : i32
    %c0_i32_0 = arith.constant 0 : i32
    return %arg0, %c0_i32 : i32, i32
  }
  func.func @transform_3(%arg0: i32) -> (i32, i32) {
    %c0_i32 = arith.constant 0 : i32
    %c0_i32_0 = arith.constant 0 : i32
    %c0_i32_1 = arith.constant 0 : i32
    return %c0_i32, %c0_i32_0 : i32, i32
  }
  func.func @transform_4(%arg0: i32) -> (i32, i32) {
    %c0_i32 = arith.constant 0 : i32
    %c0_i32_0 = arith.constant 0 : i32
    %c0_i32_1 = arith.constant 0 : i32
    return %c0_i32, %c0_i32_0 : i32, i32
  }
  func.func @transform_5(%arg0: i32) -> (i32, i32) {
    %c0_i32 = arith.constant 0 : i32
    %c0_i32_0 = arith.constant 0 : i32
    return %arg0, %c0_i32 : i32, i32
  }
}

</mosaic_0001>

<sc_bundles>
// kernel: kernel.4.cloned.1.call-start
scs
__scs_entry_jumppad:
0x0: {  	(pc) =	sbr.rel $0x88, $3  }
0x1: {  	(tag) =	ssettag $0x0;
	lr =	simm.s32 $0x1  }
0x2: {  	[smem:$0x3F9D] =	sst lr;
	_ =	strace $0xD0000000  }
0x3: {  	_ = 	snop  }
0x4: {  	_ = 	snop  }
0x5: {  	_ = 	snop  }
0x6: {  	_ = 	snop  }
0x7: {  	_ = 	snop  }
__scs_overlays_trampoline_lowered:
0x8: {  	[smem:$0x3FAC] =	sst s0  }
0x9: {  	[smem:$0x3FAD] =	sst s1  }
0xa: {  	[smem:$0x3FAE] =	sst s2  }
0xb: {  	[smem:$0x3FAF] =	sst s3  }
0xc: {  	[smem:$0x3FB0] =	sst s4  }
0xd: {  	[smem:$0x3FB1] =	sst s5  }
0xe: {  	[smem:$0x3FB2] =	sst s6  }
0xf: {  	[smem:$0x3FB3] =	sst s7  }
0x10: {  	[smem:$0x3FB4] =	sst s8  }
0x11: {  	[smem:$0x3FB5] =	sst s9;
	s0 =	simm.s32 @!p0 $0x0  }
0x12: {  	s1 =	sld [smem:$0x3F9B];
	s0 =	simm.s32 @p0 $0x1  }
0x13: {  	[smem:$0x3FB6] =	sst s0;
	s0 =	simm.s32 @!p1 $0x0  }
0x14: {  	s2 =	sld [smem:$0x3F9A];
	s0 =	simm.s32 @p1 $0x1  }
0x15: {  	[smem:$0x3FB7] =	sst s0;
	s0 =	simm.s32 @!p2 $0x0  }
0x16: {  	s3 =	sld [smem:$0x3FDB];
	s0 =	simm.s32 @p2 $0x1  }
0x17: {  	s4 =	simm.s32 $0x1BF5;
	[smem:$0x3FB9] =	sst s0  }
0x18: {  	s0 =	sld [smem:$0x3F9C];
	_ =	swait.ge [sflag:s4], $0x0  }
0x19: {  	s7 =	sld [smem:$0x3F9D]  }
0x1a: {  	s8 =	sadd.s32 $0xFFFFE003, lr  }
0x1b: {  	s9 =	sadd.s32 $0xFFFFFEF7, lr;
	s5 =	simm.s32 $0xFFFFFFFF;
	p2 =	slt.u32 s8, $0xFFFFF086  }
0x1c: {  	p1 =	slt.u32 s9, $0xF7A;
	s5 =	simm.s32 @!p2 $0x0  }
0x1d: {  	s5 =	simm.s32 @p1 $0x1;
	p0 =	seq.s32 s7, s2  }
0x1e: {  	s7 =	smul.u32 @!p0 $0xF7A, s2;
	p2 =	seq.s32 @!p0 s5, $0x0  }
0x1f: {  	s9 =	smul.u32 $0xF7A, s1;
	s8 =	simm.s32 @!p0 $0x1BF5;
	p2 =	por !p2, p0  }
0x20: {  	[sflag:s8] =	ssyncset.s32 @!p0 $0xFFFFF086;
	s6 =	sadd.s32 @!p0 s3, s7;
	s7 =	simm.s32 @!p0 $0x108  }
0x21: {  	s3 =	sadd.s32 s3, s9;
	s6 =	sadd.s32 @!p0 $0x88, s6;
	s7 =	simm.s32 @p2 $0x1082  }
0x22: {  	[simem:s7], [sflag:s8] =	dma.local @!p0 [hbm:s6], $0xF7A  }
0x23: {  	s9 =	sor.u32 $0xD0000000, s2;
	s6 =	simm.s32 $0x108;
	_ =	swait.ge @!p0 [sflag:s8], $0x0  }
0x24: {  	s3 =	sadd.s32 $0x88, s3;
	s6 =	simm.s32 @!p1 $0x1082;
	[sflag:s4] =	ssyncset.s32 $0xFFFFF086  }
0x25: {  	[simem:s6], [sflag:s4] =	dma.local [hbm:s3], $0xF7A  }
0x26: {  	[smem:$0x3F9D] =	sst s1;
	(tag) =	ssettag s2;
	_ =	strace s9  }
0x27: {  	s1 =	sld [smem:$0x3FAD]  }
0x28: {  	s2 =	sld [smem:$0x3FAE]  }
0x29: {  	s4 =	sld [smem:$0x3FB0]  }
0x2a: {  	p0 =	seq.s32 s5, $0x0;
	s5 =	sld [smem:$0x3FB1]  }
0x2b: {  	s6 =	sld [smem:$0x3FB2]  }
0x2c: {  	s7 =	sld [smem:$0x3FB3]  }
0x2d: {  	s3 =	simm.s32 $0x108;
	s8 =	sld [smem:$0x3FB4]  }
0x2e: {  	s3 =	simm.s32 @!p0 $0x1082;
	s9 =	sld [smem:$0x3FB5]  }
0x2f: {  	lr =	sadd.s32 s0, s3;
	s0 =	sld [smem:$0x3FAC]  }
0x30: {  	s3 =	sld [smem:$0x3FAF]  }
0x31: {  	[smem:$0x3FB8] =	sst s10  }
0x32: {  	s10 =	sld [smem:$0x3FB6];
	_ =	sdelay $0x3  }
0x33: {  	p0 =	seq.s32 s10, $0x1;
	s10 =	sld [smem:$0x3FB8];
	_ =	sdelay $0x3  }
0x34: {  	[smem:$0x3FB8] =	sst s10  }
0x35: {  	s10 =	sld [smem:$0x3FB7];
	_ =	sdelay $0x3  }
0x36: {  	p1 =	seq.s32 s10, $0x1;
	s10 =	sld [smem:$0x3FB8];
	_ =	sdelay $0x3  }
0x37: {  	[smem:$0x3FB8] =	sst s10  }
0x38: {  	s10 =	sld [smem:$0x3FB9]  }
0x39: {  	_ = 	snop;
	(pc) =	sbr.ind lr, $3  }
0x3a: {  	_ = 	snop  }
0x3b: {  	_ = 	snop  }
0x3c: {  	p2 =	seq.s32 s10, $0x1;
	s10 =	sld [smem:$0x3FB8]  }
0x3d: {  	_ =	shalt  }
0x3e: {  	_ =	shalt  }
0x3f: {  	_ =	shalt  }
0x40: {  	_ =	shalt  }
0x41: {  	_ =	shalt  }
0x42: {  	_ =	shalt  }
0x43: {  	_ =	shalt  }
0x44: {  	_ =	shalt  }
0x45: {  	_ =	shalt  }
0x46: {  	_ =	shalt  }
0x47: {  	_ =	shalt  }
0x48: {  	_ =	shalt  }
0x49: {  	_ =	shalt  }
0x4a: {  	_ =	shalt  }
0x4b: {  	_ =	shalt  }
0x4c: {  	_ =	shalt  }
0x4d: {  	_ =	shalt  }
0x4e: {  	_ =	shalt  }
0x4f: {  	_ =	shalt  }
0x50: {  	_ =	shalt  }
0x51: {  	_ =	shalt  }
0x52: {  	_ =	shalt  }
0x53: {  	_ =	shalt  }
0x54: {  	_ =	shalt  }
0x55: {  	_ =	shalt  }
0x56: {  	_ =	shalt  }
0x57: {  	_ =	shalt  }
0x58: {  	_ =	shalt  }
0x59: {  	_ =	shalt  }
0x5a: {  	_ =	shalt  }
0x5b: {  	_ =	shalt  }
0x5c: {  	_ =	shalt  }
0x5d: {  	_ =	shalt  }
0x5e: {  	_ =	shalt  }
0x5f: {  	_ =	shalt  }
0x60: {  	_ =	shalt  }
0x61: {  	_ =	shalt  }
0x62: {  	_ =	shalt  }
0x63: {  	_ =	shalt  }
0x64: {  	_ =	shalt  }
0x65: {  	_ =	shalt  }
0x66: {  	_ =	shalt  }
0x67: {  	_ =	shalt  }
0x68: {  	_ =	shalt  }
0x69: {  	_ =	shalt  }
0x6a: {  	_ =	shalt  }
0x6b: {  	_ =	shalt  }
0x6c: {  	_ =	shalt  }
0x6d: {  	_ =	shalt  }
0x6e: {  	_ =	shalt  }
0x6f: {  	_ =	shalt  }
0x70: {  	_ =	shalt  }
0x71: {  	_ =	shalt  }
0x72: {  	_ =	shalt  }
0x73: {  	_ =	shalt  }
0x74: {  	_ =	shalt  }
0x75: {  	_ =	shalt  }
0x76: {  	_ =	shalt  }
0x77: {  	_ =	shalt  }
0x78: {  	_ =	shalt  }
0x79: {  	_ =	shalt  }
0x7a: {  	_ =	shalt  }
0x7b: {  	_ =	shalt  }
0x7c: {  	_ =	shalt  }
0x7d: {  	_ =	shalt  }
0x7e: {  	_ =	shalt  }
0x7f: {  	_ =	shalt  }
0x80: {  	_ =	shalt  }
0x81: {  	_ =	shalt  }
0x82: {  	_ =	shalt  }
0x83: {  	_ =	shalt  }
0x84: {  	_ =	shalt  }
0x85: {  	_ =	shalt  }
0x86: {  	_ =	shalt  }
0x87: {  	_ =	shalt  }
.Lfunc_end0:
.L_simem_size_0:
called_computation_lowered:
.L_overlay_start_0:
0x88: {  	s2 =	sld [smem:$0x3FD9]  }
0x89: {  	s3 =	sld [smem:$0x3FFE];
	_ =	sdelay $0x1  }
0x8a: {  	s1 =	srdreg.scid  }
0x8b: {  	s0 =	sand.u32 $0x1, s1  }
0x8c: {  	s17 =	sshll.u32 s0, $0xA;
	s2 =	sadd.s32 s3, s2  }
0x8d: {  	s2 =	sadd.s32 s2, s17  }
0x8e: {  	[smem:$0x3FC4] =	sst s2  }
0x8f: {  	_ = 	snop  }
0x90: {  	s2 =	sld [smem:$0x3FD0];
	(tm) =	ssettm $0x1  }
0x91: {  	s18 =	sld [smem:$0x3FFB];
	_ =	sdelay $0x3  }
0x92: {  	_ =	strace s18  }
0x93: {  	s3 =	sld [smem:$0x3FFC];
	_ =	sdelay $0x3  }
0x94: {  	_ =	strace s3  }
0x95: {  	s3 =	sld [smem:$0x3FFD];
	_ =	sdelay $0x3  }
0x96: {  	_ =	strace s3  }
0x97: {  	_ =	strace $0x8FFFFFFF  }
0x98: {  	s19 =	sld [smem:$0x3FDB];
	_ =	sdelay $0x1  }
0x99: {  	s4 =	simm.s32 $_scs_section_size  }
0x9a: {  	s5 =	simm.s32 $_size__tile_overlayer_lowered;
	s6 =	simm.s32 $_tile_overlayer_lowered  }
0x9b: {  	s22 =	simm.s32 $0x1BFF;
	s21 =	sshll.u32 s6, $0x1;
	s3 =	sadd.s32 s4, s19  }
0x9c: {  	s7 =	simm.s32 $0x0;
	s20 =	sshll.u32 s5, $0x1;
	s5 =	sadd.s32 s21, s3  }
0x9d: {  	[timem:s7], [sflag:s22] =	dma.local [hbm:s5], s20  }
0x9e: {  	_ =	swait.ge [sflag:s22], s20  }
0x9f: {  	s4 =	ssub.s32 $0x0, s20;
	[sflag:s22] =	ssyncset.done $0x0  }
0xa0: {  	[sflag:s22] =	ssyncadd.s32 s4;
	_ =	sdelay $0x1  }
0xa1: {  	s23 =	simm.s32 $0x1B8B  }
0xa2: {  	_ =	swait.ge [sflag:s23], $0x1  }
0xa3: {  	[sflag:s23] =	ssyncset.done $0x0  }
0xa4: {  	s25 =	simm.s32 $0x1B8E;
	s24 =	sld [smem:$0x3FFE];
	[sflag:s23] =	ssyncadd.s32 $0xFFFFFFFF  }
0xa5: {  	s26 =	simm.s32 $execute0_lowered;
	[smem:$0x3FD2] =	sst s25  }
0xa6: {  	s5 =	sshll.u32 s26, $0x1;
	_ =	strace $0x80000046;
	[dreg:$0x1] =	wrdreg $0xFFFFFFFF  }
0xa7: {  	s28 =	simm.s32 $_size_execute0_lowered;
	s3 =	sadd.s32 s3, s5;
	[dreg:$0x0] =	wrdreg $0x0  }
0xa8: {  	s5 =	sshll.u32 s28, $0x1;
	[dreg:$0x2] =	wrdreg s3  }
0xa9: {  	[dreg:$0x3] =	wrdreg s5  }
0xaa: {  	[dreg:$0x4] =	wrdreg $0xC0  }
0xab: {  	_ =	task [dreg:s7], $0x5FFFF  }
0xac: {  	[dreg:$0x1] =	wrdreg $0xFFFFFFFF  }
0xad: {  	[dreg:$0x0] =	wrdreg $0x60  }
0xae: {  	[dreg:$0x2] =	wrdreg s24  }
0xaf: {  	[dreg:$0x3] =	wrdreg s2  }
0xb0: {  	[dreg:$0x4] =	wrdreg $0x0  }
0xb1: {  	[dreg:$0x5] =	wrdreg $0x9  }
0xb2: {  	_ =	task.clear_ibuf [dreg:s7], $0x6FFFF;
	_ =	strace $0x90000046  }
0xb3: {  	s29 =	simm.s32 $0x9;
	_ =	strace $0x80000048  }
0xb4: {  	_ =	swait.ge [sflag:s29], $0x1  }
0xb5: {  	[sflag:s29] =	ssyncadd.s32 $0xFFFFFFFF  }
0xb6: {  	_ =	strace $0x90000048  }
0xb7: {  	_ =	sfence  }
0xb8: {  	s30 =	sld [smem:$0x0];
	_ =	sdelay $0x2  }
0xb9: {  	s31 =	sshll.u32 s1, $0xD;
	s1 =	sshrl.u32 s1, $0x2  }
0xba: {  	s3 =	sand.u32 $0x4000, s31;
	s1 =	sadd.s32 s1, s30  }
0xbb: {  	s0 =	sor.u32 s3, s0;
	s1 =	sshll.u32 s1, $0x11  }
0xbc: {  	s0 =	sor.u32 s1, s0  }
0xbd: {  	s0 =	sadd.s32 $0x8F2B, s0  }
0xbe: {  	[sflag:s0] =	ssyncadd.remote.s32 $0x1  }
0xbf: {  	_ =	sfence.sel $0xFFFF  }
0xc0: {  	[dreg:$0x0] =	wrdreg $0xFFFFFFFF;
	(pc) =	sbr.abs _section_cstart, $3  }
0xc1: {  	[dreg:$0x1] =	wrdreg $0xFFFFFFFF  }
0xc2: {  	_ =	task.clear_ibuf [dreg:s7], $0x2FFFF;
	_ =	strace $0x9FFFFFFF  }
0xc3: {  	(tm) =	ssettm $0x7FFFFFFF  }
tec
execute0_lowered:
.L_overlay_start_1:
0x0: {  	(tag) =	ssettag $0x1  }
0x1: {  	s6 =	rddreg [dreg:$0x0]  }
0x2: {  	s15 =	rddreg [dreg:$0x1]  }
0x3: {  	s2 =	rddreg [dreg:$0x2]  }
0x4: {  	s0 =	rddreg [dreg:$0x3]  }
0x5: {  	s3 =	simm.s32 $0x0;
	s4 =	srdreg.scid;
	s1 =	stileid.u32  }
0x6: {  	s19 =	simm.s32 $0x16800;
	s20 =	simm.s32 $0x17200;
	s21 =	simm.s32 $0x7D  }
0x7: {  	s22 =	simm.s32 $0x17C00;
	s23 =	simm.s32 $0x1;
	s24 =	simm.s32 $0x0  }
0x8: {  	[smem:$0x7FF] =	sst s3;
	s7 =	sand.u32 $0x1, s4;
	s8 =	smul.u32 $0x16800, s1  }
0x9: {  	s4 =	sadd.s32 $0xA800, s6;
	s16 =	sadd.s32 $0x800, s6;
	s5 =	sadd.s32 $0x36800, s6  }
0xa: {  	s31 =	sshll.u32 s1, $0x6;
	s9 =	smul.u32 $0x168000, s7;
	s10 =	sshll.u32 s7, $0x4  }
0xb: {  	_ =	strace $0x80000047;
	s7 =	ssub.s32 $0x2, s7;
	s10 =	sor.u32 s1, s10  }
0xc: {  	s11 =	sshrl.u32 s7, $0x1;
	s17 =	sadd.s32 s8, s2;
	s9 =	sadd.s32 s8, s9  }
0xd: {  	s10 =	smul.u32 $0x2800, s10;
	s11 =	ssub.s32 s7, s11;
	s9 =	sshrl.u32 s9, $0x3  }
0xe: {  	s17 =	sshrl.u32 s17, $0x3;
	s8 =	smax.u32 s11, $0x1;
	s9 =	sadd.s32 s9, s6  }
0xf: {  	s6 =	sor.u32 $0x1C02, s31;
	s13 =	sshrl.u32 s10, $0x3;
	s7 =	sadd.s32 $0x39600, s9  }
0x10: {  	s12 =	sadd.s32 $0x140, s13;
	s9 =	sadd.s32 s15, s13;
	s10 =	sadd.s32 s16, s13  }
0x11: {  	s14 =	sadd.s32 $0x280, s13;
	s18 =	sadd.s32 $0x3C0, s13;
	s11 =	sadd.s32 s15, s12  }
0x12: {  	s12 =	sadd.s32 s16, s12;
	s13 =	sadd.s32 s15, s14;
	s14 =	sadd.s32 s16, s14  }
0x13: {  	s15 =	sadd.s32 s15, s18;
	s16 =	sadd.s32 s16, s18;
	s18 =	simm.s32 $0x2  }
.LBB2_1:
0x14: {  	[spmem:s17], [sflag:s6] =	dma.local [hbm:s5], $0x2D00  }
0x15: {  	_ =	swait.ge [sflag:s18], $0x2D00  }
0x16: {  	[sflag:s18] =	ssyncset.done $0x0  }
0x17: {  	[sflag:s18] =	ssyncadd.s32 $0xFFFFD300  }
0x18: {  	[bflag:$0x0] =	sbarrier.arrive $0xFFFF  }
0x19: {  	[tilespmem:s19], [sflag:$0x2] =	stream.linear.gather [hbm4b:s9+s3], $0xA00, $0x38;
	[tilespmem:$0x1C250] =	vst v63  }
0x1a: {  	_ =	swait.ge [sflag:s18], $0xA00  }
0x1b: {  	[sflag:s18] =	ssyncset.done $0x0  }
0x1c: {  	[sflag:s18] =	ssyncadd.s32 $0xFFFFF600  }
0x1d: {  	[tilespmem:s20], [sflag:$0x2] =	stream.linear.gather [hbm4b:s10+s3], $0xA00, $0x38;
	[tilespmem:$0x1C250] =	vst v63  }
0x1e: {  	_ =	swait.ge [sflag:s18], $0xA00  }
0x1f: {  	[sflag:s18] =	ssyncset.done $0x0  }
0x20: {  	s25 =	simm.s32 $0x16800;
	[sflag:s18] =	ssyncadd.s32 $0xFFFFF600  }
0x21: {  	[tilespmem:s22], [sflag:$0x1] =	stream.indirect.gather [hbm4b:s4+s21], $0x90, s25, s21, $0xb8;
	[tilespmem:$0x1C250] =	vst v63  }
0x22: {  	_ =	swait.ge [sflag:s23], $0x4650  }
0x23: {  	[sflag:s23] =	ssyncset.done $0x0  }
0x24: {  	s31 =	simm.s32 $0x17200;
	[sflag:s23] =	ssyncadd.s32 $0xFFFFB9B0  }
0x25: {  	[spmem:s2] =	stream.indirect.scatter.add.f32 [tilespmem:s22], [sflag:$0x2], $0x90, s31, s21, $0xb8;
	[tilespmem:$0x1C250] =	vst v63  }
0x26: {  	_ =	swait.ge [sflag:s18], $0x4650  }
0x27: {  	s26 =	simm.s32 $0x400;
	s25 =	simm.s32 $0x80;
	[sflag:s18] =	ssyncset.done $0x0  }
.LBB2_2:
0x28: {  	s28 =	sadd.s32 $0x16800, s25  }
0x29: {  	[sflag:s18] =	ssyncadd.s32 $0xFFFFB9B0;
	s29 =	smov.u32 s26;
	s30 =	sadd.s32 $0x200, s26  }
0x2a: {  	[tilespmem:s22], [sflag:$0x1] =	stream.indirect.gather [hbm4b:s4+s21], $0x90, s28, s21, $0xb8;
	[tilespmem:$0x1C250] =	vst v63  }
0x2b: {  	p0 =	sne.s32 s26, $0x2600;
	_ =	swait.ge [sflag:s23], $0x4650  }
.Ltmp0:
0x2c: {  	[sflag:s23] =	ssyncset.done $0x0;
	(pc) =	sbr.rel @p0 .LBB2_2-.Ltmp0, $4  }
0x2d: {  	s25 =	sadd.s32 $0x17200, s25;
	[sflag:s23] =	ssyncadd.s32 $0xFFFFB9B0  }
0x2e: {  	[spmem:s2] =	stream.indirect.scatter.add.f32 [tilespmem:s22], [sflag:$0x2], $0x90, s25, s21, $0xb8;
	[tilespmem:$0x1C250] =	vst v63  }
0x2f: {  	_ =	swait.ge [sflag:s18], $0x4650  }
0x30: {  	s26 =	smov.u32 s30;
	s25 =	sshra.s32 s29, $0x2;
	[sflag:s18] =	ssyncset.done $0x0  }
0x31: {  	s26 =	sadd.s32 $0x16800, s25;
	[sflag:s18] =	ssyncadd.s32 $0xFFFFB9B0  }
0x32: {  	[tilespmem:s22], [sflag:$0x1] =	stream.indirect.gather [hbm4b:s4+s21], $0x90, s26, s21, $0xb8;
	[tilespmem:$0x1C250] =	vst v63  }
0x33: {  	_ =	swait.ge [sflag:s23], $0x4650  }
0x34: {  	[sflag:s23] =	ssyncset.done $0x0  }
0x35: {  	s28 =	sadd.s32 $0x17200, s25;
	[sflag:s23] =	ssyncadd.s32 $0xFFFFB9B0  }
0x36: {  	[spmem:s2] =	stream.indirect.scatter.add.f32 [tilespmem:s22], [sflag:$0x2], $0x90, s28, s21, $0xb8;
	[tilespmem:$0x1C250] =	vst v63  }
0x37: {  	_ =	swait.ge [sflag:s18], $0x4650  }
0x38: {  	[sflag:s18] =	ssyncset.done $0x0  }
0x39: {  	s29 =	simm.s32 $0x0;
	[sflag:s18] =	ssyncadd.s32 $0xFFFFB9B0  }
0x3a: {  	[tilespmem:s19], [sflag:$0x2] =	stream.linear.gather [hbm4b:s11+s29], $0xA00, $0x38;
	[tilespmem:$0x1C250] =	vst v63  }
0x3b: {  	_ =	swait.ge [sflag:s18], $0xA00  }
0x3c: {  	[sflag:s18] =	ssyncset.done $0x0  }
0x3d: {  	[sflag:s18] =	ssyncadd.s32 $0xFFFFF600  }
0x3e: {  	[tilespmem:s20], [sflag:$0x2] =	stream.linear.gather [hbm4b:s12+s29], $0xA00, $0x38;
	[tilespmem:$0x1C250] =	vst v63  }
0x3f: {  	_ =	swait.ge [sflag:s18], $0xA00  }
0x40: {  	[sflag:s18] =	ssyncset.done $0x0  }
0x41: {  	s30 =	simm.s32 $0x16800;
	[sflag:s18] =	ssyncadd.s32 $0xFFFFF600  }
0x42: {  	[tilespmem:s22], [sflag:$0x1] =	stream.indirect.gather [hbm4b:s4+s21], $0x90, s30, s21, $0xb8;
	[tilespmem:$0x1C250] =	vst v63  }
0x43: {  	_ =	swait.ge [sflag:s23], $0x4650  }
0x44: {  	[sflag:s23] =	ssyncset.done $0x0  }
0x45: {  	s31 =	simm.s32 $0x17200;
	[sflag:s23] =	ssyncadd.s32 $0xFFFFB9B0  }
0x46: {  	[spmem:s2] =	stream.indirect.scatter.add.f32 [tilespmem:s22], [sflag:$0x2], $0x90, s31, s21, $0xb8;
	[tilespmem:$0x1C250] =	vst v63  }
0x47: {  	_ =	swait.ge [sflag:s18], $0x4650  }
0x48: {  	s25 =	simm.s32 $0x80;
	s26 =	simm.s32 $0x400;
	[sflag:s18] =	ssyncset.done $0x0  }
.LBB2_4:
0x49: {  	s28 =	sadd.s32 $0x16800, s25  }
0x4a: {  	[sflag:s18] =	ssyncadd.s32 $0xFFFFB9B0;
	s29 =	smov.u32 s26;
	s30 =	sadd.s32 $0x200, s26  }
0x4b: {  	[tilespmem:s22], [sflag:$0x1] =	stream.indirect.gather [hbm4b:s4+s21], $0x90, s28, s21, $0xb8;
	[tilespmem:$0x1C250] =	vst v63  }
0x4c: {  	p0 =	sne.s32 s26, $0x2600;
	_ =	swait.ge [sflag:s23], $0x4650  }
.Ltmp1:
0x4d: {  	[sflag:s23] =	ssyncset.done $0x0;
	(pc) =	sbr.rel @p0 .LBB2_4-.Ltmp1, $4  }
0x4e: {  	s25 =	sadd.s32 $0x17200, s25;
	[sflag:s23] =	ssyncadd.s32 $0xFFFFB9B0  }
0x4f: {  	[spmem:s2] =	stream.indirect.scatter.add.f32 [tilespmem:s22], [sflag:$0x2], $0x90, s25, s21, $0xb8;
	[tilespmem:$0x1C250] =	vst v63  }
0x50: {  	_ =	swait.ge [sflag:s18], $0x4650  }
0x51: {  	s26 =	smov.u32 s30;
	s25 =	sshra.s32 s29, $0x2;
	[sflag:s18] =	ssyncset.done $0x0  }
0x52: {  	s26 =	sadd.s32 $0x16800, s25;
	[sflag:s18] =	ssyncadd.s32 $0xFFFFB9B0  }
0x53: {  	[tilespmem:s22], [sflag:$0x1] =	stream.indirect.gather [hbm4b:s4+s21], $0x90, s26, s21, $0xb8;
	[tilespmem:$0x1C250] =	vst v63  }
0x54: {  	_ =	swait.ge [sflag:s23], $0x4650  }
0x55: {  	[sflag:s23] =	ssyncset.done $0x0  }
0x56: {  	s28 =	sadd.s32 $0x17200, s25;
	[sflag:s23] =	ssyncadd.s32 $0xFFFFB9B0  }
0x57: {  	[spmem:s2] =	stream.indirect.scatter.add.f32 [tilespmem:s22], [sflag:$0x2], $0x90, s28, s21, $0xb8;
	[tilespmem:$0x1C250] =	vst v63  }
0x58: {  	_ =	swait.ge [sflag:s18], $0x4650  }
0x59: {  	[sflag:s18] =	ssyncset.done $0x0  }
0x5a: {  	s29 =	simm.s32 $0x0;
	[sflag:s18] =	ssyncadd.s32 $0xFFFFB9B0  }
0x5b: {  	[tilespmem:s19], [sflag:$0x2] =	stream.linear.gather [hbm4b:s13+s29], $0xA00, $0x38;
	[tilespmem:$0x1C250] =	vst v63  }
0x5c: {  	_ =	swait.ge [sflag:s18], $0xA00  }
0x5d: {  	[sflag:s18] =	ssyncset.done $0x0  }
0x5e: {  	[sflag:s18] =	ssyncadd.s32 $0xFFFFF600  }
0x5f: {  	[tilespmem:s20], [sflag:$0x2] =	stream.linear.gather [hbm4b:s14+s29], $0xA00, $0x38;
	[tilespmem:$0x1C250] =	vst v63  }
0x60: {  	_ =	swait.ge [sflag:s18], $0xA00  }
0x61: {  	[sflag:s18] =	ssyncset.done $0x0  }
0x62: {  	s30 =	simm.s32 $0x16800;
	[sflag:s18] =	ssyncadd.s32 $0xFFFFF600  }
0x63: {  	[tilespmem:s22], [sflag:$0x1] =	stream.indirect.gather [hbm4b:s4+s21], $0x90, s30, s21, $0xb8;
	[tilespmem:$0x1C250] =	vst v63  }
0x64: {  	_ =	swait.ge [sflag:s23], $0x4650  }
0x65: {  	[sflag:s23] =	ssyncset.done $0x0  }
0x66: {  	s31 =	simm.s32 $0x17200;
	[sflag:s23] =	ssyncadd.s32 $0xFFFFB9B0  }
0x67: {  	[spmem:s2] =	stream.indirect.scatter.add.f32 [tilespmem:s22], [sflag:$0x2], $0x90, s31, s21, $0xb8;
	[tilespmem:$0x1C250] =	vst v63  }
0x68: {  	_ =	swait.ge [sflag:s18], $0x4650  }
0x69: {  	s25 =	simm.s32 $0x80;
	s26 =	simm.s32 $0x400;
	[sflag:s18] =	ssyncset.done $0x0  }
.LBB2_6:
0x6a: {  	s28 =	sadd.s32 $0x16800, s25  }
0x6b: {  	[sflag:s18] =	ssyncadd.s32 $0xFFFFB9B0;
	s29 =	smov.u32 s26;
	s30 =	sadd.s32 $0x200, s26  }
0x6c: {  	[tilespmem:s22], [sflag:$0x1] =	stream.indirect.gather [hbm4b:s4+s21], $0x90, s28, s21, $0xb8;
	[tilespmem:$0x1C250] =	vst v63  }
0x6d: {  	p0 =	sne.s32 s26, $0x2600;
	_ =	swait.ge [sflag:s23], $0x4650  }
.Ltmp2:
0x6e: {  	[sflag:s23] =	ssyncset.done $0x0;
	(pc) =	sbr.rel @p0 .LBB2_6-.Ltmp2, $4  }
0x6f: {  	s25 =	sadd.s32 $0x17200, s25;
	[sflag:s23] =	ssyncadd.s32 $0xFFFFB9B0  }
0x70: {  	[spmem:s2] =	stream.indirect.scatter.add.f32 [tilespmem:s22], [sflag:$0x2], $0x90, s25, s21, $0xb8;
	[tilespmem:$0x1C250] =	vst v63  }
0x71: {  	_ =	swait.ge [sflag:s18], $0x4650  }
0x72: {  	s26 =	smov.u32 s30;
	s25 =	sshra.s32 s29, $0x2;
	[sflag:s18] =	ssyncset.done $0x0  }
0x73: {  	s26 =	sadd.s32 $0x16800, s25;
	[sflag:s18] =	ssyncadd.s32 $0xFFFFB9B0  }
0x74: {  	[tilespmem:s22], [sflag:$0x1] =	stream.indirect.gather [hbm4b:s4+s21], $0x90, s26, s21, $0xb8;
	[tilespmem:$0x1C250] =	vst v63  }
0x75: {  	_ =	swait.ge [sflag:s23], $0x4650  }
0x76: {  	[sflag:s23] =	ssyncset.done $0x0  }
0x77: {  	s28 =	sadd.s32 $0x17200, s25;
	[sflag:s23] =	ssyncadd.s32 $0xFFFFB9B0  }
0x78: {  	[spmem:s2] =	stream.indirect.scatter.add.f32 [tilespmem:s22], [sflag:$0x2], $0x90, s28, s21, $0xb8;
	[tilespmem:$0x1C250] =	vst v63  }
0x79: {  	_ =	swait.ge [sflag:s18], $0x4650  }
0x7a: {  	[sflag:s18] =	ssyncset.done $0x0  }
0x7b: {  	s29 =	simm.s32 $0x0;
	[sflag:s18] =	ssyncadd.s32 $0xFFFFB9B0  }
0x7c: {  	[tilespmem:s19], [sflag:$0x2] =	stream.linear.gather [hbm4b:s15+s29], $0xA00, $0x38;
	[tilespmem:$0x1C250] =	vst v63  }
0x7d: {  	_ =	swait.ge [sflag:s18], $0xA00  }
0x7e: {  	[sflag:s18] =	ssyncset.done $0x0  }
0x7f: {  	[sflag:s18] =	ssyncadd.s32 $0xFFFFF600  }
0x80: {  	[tilespmem:s20], [sflag:$0x2] =	stream.linear.gather [hbm4b:s16+s29], $0xA00, $0x38;
	[tilespmem:$0x1C250] =	vst v63  }
0x81: {  	_ =	swait.ge [sflag:s18], $0xA00  }
0x82: {  	[sflag:s18] =	ssyncset.done $0x0  }
0x83: {  	s30 =	simm.s32 $0x16800;
	[sflag:s18] =	ssyncadd.s32 $0xFFFFF600  }
0x84: {  	[tilespmem:s22], [sflag:$0x1] =	stream.indirect.gather [hbm4b:s4+s21], $0x90, s30, s21, $0xb8;
	[tilespmem:$0x1C250] =	vst v63  }
0x85: {  	_ =	swait.ge [sflag:s23], $0x4650  }
0x86: {  	[sflag:s23] =	ssyncset.done $0x0  }
0x87: {  	s31 =	simm.s32 $0x17200;
	[sflag:s23] =	ssyncadd.s32 $0xFFFFB9B0  }
0x88: {  	[spmem:s2] =	stream.indirect.scatter.add.f32 [tilespmem:s22], [sflag:$0x2], $0x90, s31, s21, $0xb8;
	[tilespmem:$0x1C250] =	vst v63  }
0x89: {  	_ =	swait.ge [sflag:s18], $0x4650  }
0x8a: {  	s25 =	simm.s32 $0x80;
	s26 =	simm.s32 $0x400;
	[sflag:s18] =	ssyncset.done $0x0  }
.LBB2_8:
0x8b: {  	s28 =	sadd.s32 $0x16800, s25  }
0x8c: {  	[sflag:s18] =	ssyncadd.s32 $0xFFFFB9B0;
	s29 =	smov.u32 s26;
	s30 =	sadd.s32 $0x200, s26  }
0x8d: {  	[tilespmem:s22], [sflag:$0x1] =	stream.indirect.gather [hbm4b:s4+s21], $0x90, s28, s21, $0xb8;
	[tilespmem:$0x1C250] =	vst v63  }
0x8e: {  	p0 =	sne.s32 s26, $0x2600;
	_ =	swait.ge [sflag:s23], $0x4650  }
.Ltmp3:
0x8f: {  	[sflag:s23] =	ssyncset.done $0x0;
	(pc) =	sbr.rel @p0 .LBB2_8-.Ltmp3, $4  }
0x90: {  	s25 =	sadd.s32 $0x17200, s25;
	[sflag:s23] =	ssyncadd.s32 $0xFFFFB9B0  }
0x91: {  	[spmem:s2] =	stream.indirect.scatter.add.f32 [tilespmem:s22], [sflag:$0x2], $0x90, s25, s21, $0xb8;
	[tilespmem:$0x1C250] =	vst v63  }
0x92: {  	_ =	swait.ge [sflag:s18], $0x4650  }
0x93: {  	s26 =	smov.u32 s30;
	s25 =	sshra.s32 s29, $0x2;
	[sflag:s18] =	ssyncset.done $0x0  }
0x94: {  	s26 =	sadd.s32 $0x16800, s25;
	[sflag:s18] =	ssyncadd.s32 $0xFFFFB9B0  }
0x95: {  	[tilespmem:s22], [sflag:$0x1] =	stream.indirect.gather [hbm4b:s4+s21], $0x90, s26, s21, $0xb8;
	[tilespmem:$0x1C250] =	vst v63  }
0x96: {  	_ =	swait.ge [sflag:s23], $0x4650  }
0x97: {  	[sflag:s23] =	ssyncset.done $0x0  }
0x98: {  	s31 =	sadd.s32 $0x17200, s25;
	[sflag:s23] =	ssyncadd.s32 $0xFFFFB9B0  }
0x99: {  	[spmem:s2] =	stream.indirect.scatter.add.f32 [tilespmem:s22], [sflag:$0x2], $0x90, s31, s21, $0xb8;
	[tilespmem:$0x1C250] =	vst v63  }
0x9a: {  	_ =	swait.ge [sflag:s18], $0x4650  }
0x9b: {  	s24 =	sadd.s32 $0x1, s24;
	[sflag:s18] =	ssyncset.done $0x0  }
0x9c: {  	p0 =	sne.s32 s24, s8;
	[sflag:s18] =	ssyncadd.s32 $0xFFFFB9B0  }
.Ltmp4:
0x9d: {  	[bflag:$0x0] =	sbarrier.arrive $0xFFFF;
	(pc) =	sbr.rel @p0 .LBB2_1-.Ltmp4, $4  }
0x9e: {  	[hbm:s7], [sflag:s6] =	dma.local [spmem:s17], $0x2D00  }
0x9f: {  	_ =	swait.ge [sflag:s18], $0x2D00  }
0xa0: {  	[sflag:s18] =	ssyncset.done $0x0  }
0xa1: {  	[sflag:s18] =	ssyncadd.s32 $0xFFFFD300  }
0xa2: {  	_ =	sfence.sel $0x180000  }
0xa3: {  	[bflag:$0x0] =	sbarrier.arrive $0xFFFF  }
0xa4: {  	p0 =	sne.s32 s1, $0x0;
	_ =	strace $0x90000047  }
0xa5: {  	s0 =	sadd.s32 @!p0 $0x100000, s0;
	[bflag:$0x2] =	sbarrier.arrive $0xFFFF  }
0xa6: {  	[sflag:s0] =	ssyncadd.tile.s32 @!p0 $0x1;
	_ =	shalt  }
.Lfunc_end2:
_tile_overlayer_lowered:
.L_overlay_start_2:
0xa7: {  	(tag) =	ssettag $0x2  }
0xa8: {  	s0 =	rddreg [dreg:$0x0];
	s2 =	stileid.u32  }
0xa9: {  	s1 =	rddreg [dreg:$0x1];
	p0 =	sne.s32 s2, $0x0  }
0xaa: {  	s3 =	rddreg [dreg:$0x2];
	[bflag:$0x3] =	sbarrier.arrive $0xFFFF;
	s2 =	simm.s32 @!p0 $0x1C02  }
0xab: {  	[timem:s3], [sflag:s2] =	dma.local @!p0 [hbm:s0], s1  }
0xac: {  	s0 =	simm.s32 @!p0 $0x2  }
0xad: {  	_ =	swait.ge @!p0 [sflag:s0], s1  }
0xae: {  	s1 =	ssub.s32 @!p0 $0x0, s1;
	[sflag:s0] =	ssyncset.done @!p0 $0x0  }
0xaf: {  	[sflag:s0] =	ssyncadd.s32 @!p0 s1  }
0xb0: {  	[bflag:$0x3] =	sbarrier.arrive $0xFFFF  }
0xb1: {  	_ =	shalt  }

</sc_bundles>
